<compile_context>
chip_gen: v7x
topology: tpu7x:2x2x1
jax: 0.10.2.dev20260603
libtpu: 0.0.44.dev20260713+nightly
codegen_flags: <defaults>
</compile_context>

<pallas_src>
import dataclasses
import functools

import jax
import jax.numpy as jnp
from jax.experimental import pallas as pl
from jax.experimental.pallas import tpu as pltpu
from jax.experimental.pallas import tpu_sc as plsc

_K = 20
_KPAD = 32
_R = 512


def _topk_body(x_ref, xt_ref, out_ref, dist_ref):
    b = pl.program_id(0)
    t = pl.program_id(1)
    n = x_ref.shape[2]

    x = x_ref[0]
    xt = xt_ref[0, pl.ds(t * _R, _R), :]
    x0, x1, x2 = x[0:1, :], x[1:2, :], x[2:3, :]
    a0, a1, a2 = xt[:, 0:1], xt[:, 1:2], xt[:, 2:3]
    xx = (x0 * x0 + x1 * x1) + x2 * x2
    rr = (a0 * a0 + a1 * a1) + a2 * a2
    s = jax.lax.dot_general(
        xt.astype(jnp.bfloat16), x.astype(jnp.bfloat16),
        (((1,), (0,)), ((), ())),
        preferred_element_type=jnp.float32,
    )
    inner = -2.0 * s
    dist_ref[...] = ((-xx) - inner) - rr

    col = jax.lax.broadcasted_iota(jnp.int32, (_R, n), 1)
    lane_k = jax.lax.broadcasted_iota(jnp.int32, (_R, _KPAD), 1)
    neg_inf = jnp.float32(-jnp.inf)

    def body(k, idx):
        d = dist_ref[...]
        m = jnp.max(d, axis=1, keepdims=True)
        cand = jnp.where(d == m, col, n)
        j = jnp.min(cand, axis=1, keepdims=True)
        dist_ref[...] = jnp.where(col == j, neg_inf, d)
        return jnp.where(lane_k == k, j, idx)

    idx = jax.lax.fori_loop(0, _K, body, jnp.zeros((_R, _KPAD), jnp.int32))
    del b
    out_ref[0] = idx


def _topk_indices(coor):
    b, c, n = coor.shape
    xt = jnp.transpose(coor, (0, 2, 1))
    return pl.pallas_call(
        _topk_body,
        grid=(b, n // _R),
        in_specs=[
            pl.BlockSpec((1, c, n), lambda bb, tt: (bb, 0, 0)),
            pl.BlockSpec((1, n, c), lambda bb, tt: (bb, 0, 0)),
        ],
        out_specs=pl.BlockSpec((1, _R, _KPAD), lambda bb, tt: (bb, tt, 0)),
        out_shape=jax.ShapeDtypeStruct((b, n, _KPAD), jnp.int32),
        scratch_shapes=[pltpu.VMEM((_R, n), jnp.float32)],
        compiler_params=pltpu.CompilerParams(
            dimension_semantics=("parallel", "parallel")),
    )(coor, xt)


_NW = 32
_CHUNK = 2048
_NCH = 6


def _sc_gather(table, idx_flat):
    m = idx_flat.shape[0]
    per_w = m // _NW
    w_per_b = m // table.shape[0] // per_w
    tab_w = table.shape[1]
    mesh = plsc.VectorSubcoreMesh(core_axis_name="c", subcore_axis_name="s")
    cp = pltpu.CompilerParams()
    if "needs_layout_passes" in pltpu.CompilerParams.__dataclass_fields__:
        cp = dataclasses.replace(cp, needs_layout_passes=False)

    @functools.partial(
        pl.kernel,
        out_type=jax.ShapeDtypeStruct((_NCH, m), jnp.float32),
        mesh=mesh,
        compiler_params=cp,
        scratch_types=[
            pltpu.VMEM((tab_w,), jnp.float32),
            pltpu.VMEM((_CHUNK,), jnp.int32),
            pltpu.VMEM((_NCH, _CHUNK), jnp.float32),
        ],
    )
    def gather_kernel(tab_hbm, i_hbm, o_hbm, tab_v, idx_v, out_v):
        wid = jax.lax.axis_index("s") * 2 + jax.lax.axis_index("c")
        base = wid * per_w
        pltpu.sync_copy(tab_hbm.at[wid // w_per_b], tab_v)

        @pl.loop(0, per_w, step=_CHUNK)
        def _(off):
            pltpu.sync_copy(i_hbm.at[pl.ds(base + off, _CHUNK)], idx_v)

            @pl.loop(0, _CHUNK, step=16)
            def _(g):
                fl = idx_v[pl.ds(g, 16)] * _NCH
                for ch in range(_NCH):
                    out_v[ch, pl.ds(g, 16)] = plsc.load_gather(
                        tab_v, [fl + ch])

            pltpu.sync_copy(out_v, o_hbm.at[:, pl.ds(base + off, _CHUNK)])

    return gather_kernel(table, idx_flat)


def kernel(coor, nor):
    b, c, n = coor.shape
    idx = _topk_indices(coor)
    idx_flat = idx[:, :, :_K].reshape(b * n * _K)

    feat = jnp.concatenate([coor, nor], axis=1)
    table = jnp.transpose(feat, (0, 2, 1)).reshape(b, n * 2 * c)
    g = _sc_gather(table, idx_flat)

    nb = jnp.transpose(g.reshape(2 * c, b, n, _K), (1, 0, 2, 3))
    ctr = jnp.broadcast_to(feat[:, :, :, None], (b, 2 * c, n, _K))
    return jnp.concatenate(
        [nb[:, 0:c], ctr[:, 0:c], nb[:, c:], ctr[:, c:]], axis=1
    )

# --- scband reference (transcript-rebuilt; emitter-appended) ---
"""Pipeline reference for scband-my-seg-72610717106312 (READ-ONLY COPY).

The authoritative reference and input builder live on the scoring server;
editing this copy changes nothing except your own understanding.
"""

import jax, jax.numpy as jnp
import numpy as np

B, C, N, K = 4, 3, 4096, 20


def setup_inputs(seed: int = 0) -> dict:
    key = jax.random.key(seed)
    k1, k2 = jax.random.split(key)
    coor = jax.random.normal(k1, (B, C, N), dtype=jnp.float32)
    nor = jax.random.normal(k2, (B, C, N), dtype=jnp.float32)
    return {"coor": coor, "nor": nor}


def _knn(x, k):
    # x: [B, C, N]
    inner = -2.0 * jnp.matmul(jnp.transpose(x, (0, 2, 1)), x)  # [B, N, N]
    xx = jnp.sum(x ** 2, axis=1, keepdims=True)  # [B, 1, N]
    pairwise_distance = -xx - inner - jnp.transpose(xx, (0, 2, 1))
    idx = jax.lax.top_k(pairwise_distance, k)[1]  # [B, N, k]
    return idx


def _get_graph_feature(coor, nor, k):
    b, c, n = coor.shape
    idx = _knn(coor, k)  # [b, n, k]
    batch_idx = jnp.arange(b)[:, None, None]
    coor_t = jnp.transpose(coor, (0, 2, 1))  # [b, n, c]
    nor_t = jnp.transpose(nor, (0, 2, 1))
    coor_nb = coor_t[batch_idx, idx]  # [b, n, k, c] gather
    nor_nb = nor_t[batch_idx, idx]
    coor_c = jnp.broadcast_to(coor_t[:, :, None, :], (b, n, k, c))
    nor_c = jnp.broadcast_to(nor_t[:, :, None, :], (b, n, k, c))
    coor_feature = jnp.transpose(jnp.concatenate([coor_nb, coor_c], axis=3), (0, 3, 1, 2))  # [b, 2c, n, k]
    nor_feature = jnp.transpose(jnp.concatenate([nor_nb, nor_c], axis=3), (0, 3, 1, 2))
    return coor_feature, nor_feature


def reference(coor, nor):
    cf, nf = _get_graph_feature(coor, nor, K)
    return jnp.concatenate([cf, nf], axis=1)  # [B, 12, N, K]

if __name__ == "__main__":
    import jax
    _d = setup_inputs()
    print(jax.jit(kernel)(*tuple(_d.values())))

</pallas_src>

<mosaic_0001>
#map = affine_map<(d0, d1) -> (0, 0)>
#map1 = affine_map<(d0, d1) -> (0)>
module attributes {stable_mosaic.version = 14 : i64} {
  func.func @gather_kernel(%arg0: i32, %arg1: i32, %arg2: memref<4x24576xf32, #tpu.memory_space<hbm>>, %arg3: memref<327680xi32, #tpu.memory_space<hbm>>, %arg4: memref<6x327680xf32, #tpu.memory_space<hbm>>, %arg5: memref<24576xf32, #tpu.memory_space<vmem>>, %arg6: memref<2048xi32, #tpu.memory_space<vmem>>, %arg7: memref<6x2048xf32, #tpu.memory_space<vmem>>) attributes {dimension_semantics = [#tpu.dimension_semantics<core_parallel>, #tpu.dimension_semantics<subcore_parallel>], iteration_bounds = array<i64: 2, 16>, scalar_prefetch = 0 : i64, scratch_operands = 3 : i64, tpu.core_type = #tpu.core_type<sc_vector_subcore>, window_params = [{transform_indices = #map}, {transform_indices = #map1}, {transform_indices = #map}]} {
    %mul3A = arith.constant 2 : i32
    %mul3A_0 = arith.muli %arg1, %mul3A : i32
    %add3A = arith.addi %mul3A_0, %arg0 : i32
    %mul3A_1 = arith.constant 10240 : i32
    %mul3A_2 = arith.muli %add3A, %mul3A_1 : i32
    %jit3A = arith.constant 8 : i32
    %div3A = arith.divsi %add3A, %jit3A : i32
    %sign3A = arith.constant 0 : i32
    %sign3A_3 = arith.cmpi sgt, %add3A, %sign3A : i32
    %sign3A_4 = arith.extui %sign3A_3 : i1 to i32
    %sign3A_5 = arith.constant 0 : i32
    %sign3A_6 = arith.cmpi slt, %add3A, %sign3A_5 : i32
    %sign3A_7 = arith.extui %sign3A_6 : i1 to i32
    %sign3A_8 = arith.subi %sign3A_4, %sign3A_7 : i32
    %sign3A_9 = arith.constant 0 : i32
    %sign3A_10 = arith.cmpi sgt, %jit3A, %sign3A_9 : i32
    %sign3A_11 = arith.extui %sign3A_10 : i1 to i32
    %sign3A_12 = arith.constant 0 : i32
    %sign3A_13 = arith.cmpi slt, %jit3A, %sign3A_12 : i32
    %sign3A_14 = arith.extui %sign3A_13 : i1 to i32
    %sign3A_15 = arith.subi %sign3A_11, %sign3A_14 : i32
    %ne3A = arith.cmpi ne, %sign3A_8, %sign3A_15 : i32
    %rem3A = arith.remsi %add3A, %jit3A : i32
    %ne3A_16 = arith.constant 0 : i32
    %ne3A_17 = arith.cmpi ne, %rem3A, %ne3A_16 : i32
    %and3A = arith.andi %ne3A, %ne3A_17 : i1
    %sub3A = arith.constant 1 : i32
    %sub3A_18 = arith.subi %div3A, %sub3A : i32
    %select_n3A = arith.select %and3A, %sub3A_18, %div3A : i32
    "tpu.region"() ({
      %run_scoped3A = tpu.sem_alloc : memref<!tpu.dma_semaphore, #tpu.memory_space<semaphore_mem>>
      %dma_start3A = arith.constant 0 : i32
      %dma_start3A_23 = tpu.memref_slice %arg2[%select_n3A, %dma_start3A] : memref<4x24576xf32, #tpu.memory_space<hbm>> -> memref<1x24576xf32, #tpu.memory_space<hbm>>
      %dma_start3A_24 = tpu.memref_squeeze %dma_start3A_23 : memref<1x24576xf32, #tpu.memory_space<hbm>> -> memref<24576xf32, #tpu.memory_space<hbm>>
      %dma_start3A_25 = arith.constant 0 : i32
      %dma_start3A_26 = tpu.memref_slice %arg2[%select_n3A, %dma_start3A_25] : memref<4x24576xf32, #tpu.memory_space<hbm>> -> memref<1x24576xf32, #tpu.memory_space<hbm>>
      %dma_start3A_27 = tpu.memref_squeeze %dma_start3A_26 : memref<1x24576xf32, #tpu.memory_space<hbm>> -> memref<24576xf32, #tpu.memory_space<hbm>>
      tpu.enqueue_dma source(%dma_start3A_27 : memref<24576xf32, #tpu.memory_space<hbm>>) target(%arg5 : memref<24576xf32, #tpu.memory_space<vmem>>) target_semaphore(%run_scoped3A : memref<!tpu.dma_semaphore, #tpu.memory_space<semaphore_mem>>)
      %dma_wait3A = arith.constant 0 : i32
      %dma_wait3A_28 = tpu.memref_slice %arg2[%select_n3A, %dma_wait3A] : memref<4x24576xf32, #tpu.memory_space<hbm>> -> memref<1x24576xf32, #tpu.memory_space<hbm>>
      %dma_wait3A_29 = tpu.memref_squeeze %dma_wait3A_28 : memref<1x24576xf32, #tpu.memory_space<hbm>> -> memref<24576xf32, #tpu.memory_space<hbm>>
      %dma_wait3A_30 = arith.constant 0 : i32
      %dma_wait3A_31 = tpu.memref_slice %arg2[%select_n3A, %dma_wait3A_30] : memref<4x24576xf32, #tpu.memory_space<hbm>> -> memref<1x24576xf32, #tpu.memory_space<hbm>>
      %dma_wait3A_32 = tpu.memref_squeeze %dma_wait3A_31 : memref<1x24576xf32, #tpu.memory_space<hbm>> -> memref<24576xf32, #tpu.memory_space<hbm>>
      tpu.wait_dma2 semaphore(%run_scoped3A : memref<!tpu.dma_semaphore, #tpu.memory_space<semaphore_mem>>) src(%dma_wait3A_32 : memref<24576xf32, #tpu.memory_space<hbm>>) dst(%arg5 : memref<24576xf32, #tpu.memory_space<vmem>>)
      tpu.yield
    }) : () -> ()
    %scan3A = arith.constant 0 : i32
    %scan3A_19 = arith.constant 5 : i32
    %scan3A_20 = arith.addi %scan3A, %scan3A_19 : i32
    %scan3A_21 = arith.constant 1 : i32
    scf.for %scan3A_23 = %scan3A to %scan3A_20 step %scan3A_21  : i32 {
      %mul3A_24 = arith.constant 2048 : i32
      %mul3A_25 = arith.muli %scan3A_23, %mul3A_24 : i32
      %add3A_26 = arith.constant 0 : i32
      %add3A_27 = arith.addi %add3A_26, %mul3A_25 : i32
      %add3A_28 = arith.addi %mul3A_2, %add3A_27 : i32
      "tpu.region"() ({
        %run_scoped3A = tpu.sem_alloc : memref<!tpu.dma_semaphore, #tpu.memory_space<semaphore_mem>>
        %dma_start3A = tpu.memref_slice %arg3[%add3A_28] : memref<327680xi32, #tpu.memory_space<hbm>> -> memref<2048xi32, #tpu.memory_space<hbm>>
        %dma_start3A_35 = tpu.memref_slice %arg3[%add3A_28] : memref<327680xi32, #tpu.memory_space<hbm>> -> memref<2048xi32, #tpu.memory_space<hbm>>
        tpu.enqueue_dma source(%dma_start3A_35 : memref<2048xi32, #tpu.memory_space<hbm>>) target(%arg6 : memref<2048xi32, #tpu.memory_space<vmem>>) target_semaphore(%run_scoped3A : memref<!tpu.dma_semaphore, #tpu.memory_space<semaphore_mem>>)
        %dma_wait3A = tpu.memref_slice %arg3[%add3A_28] : memref<327680xi32, #tpu.memory_space<hbm>> -> memref<2048xi32, #tpu.memory_space<hbm>>
        %dma_wait3A_36 = tpu.memref_slice %arg3[%add3A_28] : memref<327680xi32, #tpu.memory_space<hbm>> -> memref<2048xi32, #tpu.memory_space<hbm>>
        tpu.wait_dma2 semaphore(%run_scoped3A : memref<!tpu.dma_semaphore, #tpu.memory_space<semaphore_mem>>) src(%dma_wait3A_36 : memref<2048xi32, #tpu.memory_space<hbm>>) dst(%arg6 : memref<2048xi32, #tpu.memory_space<vmem>>)
        tpu.yield
      }) : () -> ()
      %scan3A_29 = arith.constant 0 : i32
      %scan3A_30 = arith.constant 128 : i32
      %scan3A_31 = arith.addi %scan3A_29, %scan3A_30 : i32
      %scan3A_32 = arith.constant 1 : i32
      scf.for %scan3A_35 = %scan3A_29 to %scan3A_31 step %scan3A_32  : i32 {
        %mul3A_36 = arith.constant 16 : i32
        %mul3A_37 = arith.muli %scan3A_35, %mul3A_36 : i32
        %add3A_38 = arith.constant 0 : i32
        %add3A_39 = arith.addi %add3A_38, %mul3A_37 : i32
        %get3A = arith.index_cast %add3A_39 : i32 to index
        %get3A_40 = tpu.vector_load %arg6[%get3A] {strides = array<i32>} : memref<2048xi32, #tpu.memory_space<vmem>>, vector<16xi32>,
        %mul3A_41 = arith.constant 6 : i32
        %mul3A_42 = vector.broadcast %mul3A_41 : i32 to vector<16xi32>
        %mul3A_43 = arith.muli %get3A_40, %mul3A_42 : vector<16xi32>
        %add3A_44 = arith.constant 0 : i32
        %add3A_45 = vector.broadcast %add3A_44 : i32 to vector<16xi32>
        %add3A_46 = arith.addi %mul3A_43, %add3A_45 : vector<16xi32>
        %gather3A = tpu.vector_load_idx %arg5[%add3A_46] : memref<24576xf32, #tpu.memory_space<vmem>>[vector<16xi32>], vector<16xf32>,
        %swap3A = arith.constant 0 : i32
        %swap3A_47 = arith.index_cast %swap3A : i32 to index
        %swap3A_48 = arith.index_cast %add3A_39 : i32 to index
        %swap3A_49 = tpu.vector_load %arg7[%swap3A_47, %swap3A_48] {strides = array<i32>} : memref<6x2048xf32, #tpu.memory_space<vmem>>, vector<16xf32>,
        tpu.vector_store %arg7[%swap3A_47, %swap3A_48], %gather3A {strides = array<i32>} : memref<6x2048xf32, #tpu.memory_space<vmem>>, vector<16xf32>,
        %add3A_50 = arith.constant 1 : i32
        %add3A_51 = vector.broadcast %add3A_50 : i32 to vector<16xi32>
        %add3A_52 = arith.addi %mul3A_43, %add3A_51 : vector<16xi32>
        %gather3A_53 = tpu.vector_load_idx %arg5[%add3A_52] : memref<24576xf32, #tpu.memory_space<vmem>>[vector<16xi32>], vector<16xf32>,
        %swap3A_54 = arith.constant 1 : i32
        %swap3A_55 = arith.index_cast %swap3A_54 : i32 to index
        %swap3A_56 = arith.index_cast %add3A_39 : i32 to index
        %swap3A_57 = tpu.vector_load %arg7[%swap3A_55, %swap3A_56] {strides = array<i32>} : memref<6x2048xf32, #tpu.memory_space<vmem>>, vector<16xf32>,
        tpu.vector_store %arg7[%swap3A_55, %swap3A_56], %gather3A_53 {strides = array<i32>} : memref<6x2048xf32, #tpu.memory_space<vmem>>, vector<16xf32>,
        %add3A_58 = arith.constant 2 : i32
        %add3A_59 = vector.broadcast %add3A_58 : i32 to vector<16xi32>
        %add3A_60 = arith.addi %mul3A_43, %add3A_59 : vector<16xi32>
        %gather3A_61 = tpu.vector_load_idx %arg5[%add3A_60] : memref<24576xf32, #tpu.memory_space<vmem>>[vector<16xi32>], vector<16xf32>,
        %swap3A_62 = arith.constant 2 : i32
        %swap3A_63 = arith.index_cast %swap3A_62 : i32 to index
        %swap3A_64 = arith.index_cast %add3A_39 : i32 to index
        %swap3A_65 = tpu.vector_load %arg7[%swap3A_63, %swap3A_64] {strides = array<i32>} : memref<6x2048xf32, #tpu.memory_space<vmem>>, vector<16xf32>,
        tpu.vector_store %arg7[%swap3A_63, %swap3A_64], %gather3A_61 {strides = array<i32>} : memref<6x2048xf32, #tpu.memory_space<vmem>>, vector<16xf32>,
        %add3A_66 = arith.constant 3 : i32
        %add3A_67 = vector.broadcast %add3A_66 : i32 to vector<16xi32>
        %add3A_68 = arith.addi %mul3A_43, %add3A_67 : vector<16xi32>
        %gather3A_69 = tpu.vector_load_idx %arg5[%add3A_68] : memref<24576xf32, #tpu.memory_space<vmem>>[vector<16xi32>], vector<16xf32>,
        %swap3A_70 = arith.constant 3 : i32
        %swap3A_71 = arith.index_cast %swap3A_70 : i32 to index
        %swap3A_72 = arith.index_cast %add3A_39 : i32 to index
        %swap3A_73 = tpu.vector_load %arg7[%swap3A_71, %swap3A_72] {strides = array<i32>} : memref<6x2048xf32, #tpu.memory_space<vmem>>, vector<16xf32>,
        tpu.vector_store %arg7[%swap3A_71, %swap3A_72], %gather3A_69 {strides = array<i32>} : memref<6x2048xf32, #tpu.memory_space<vmem>>, vector<16xf32>,
        %add3A_74 = arith.constant 4 : i32
        %add3A_75 = vector.broadcast %add3A_74 : i32 to vector<16xi32>
        %add3A_76 = arith.addi %mul3A_43, %add3A_75 : vector<16xi32>
        %gather3A_77 = tpu.vector_load_idx %arg5[%add3A_76] : memref<24576xf32, #tpu.memory_space<vmem>>[vector<16xi32>], vector<16xf32>,
        %swap3A_78 = arith.constant 4 : i32
        %swap3A_79 = arith.index_cast %swap3A_78 : i32 to index
        %swap3A_80 = arith.index_cast %add3A_39 : i32 to index
        %swap3A_81 = tpu.vector_load %arg7[%swap3A_79, %swap3A_80] {strides = array<i32>} : memref<6x2048xf32, #tpu.memory_space<vmem>>, vector<16xf32>,
        tpu.vector_store %arg7[%swap3A_79, %swap3A_80], %gather3A_77 {strides = array<i32>} : memref<6x2048xf32, #tpu.memory_space<vmem>>, vector<16xf32>,
        %add3A_82 = arith.constant 5 : i32
        %add3A_83 = vector.broadcast %add3A_82 : i32 to vector<16xi32>
        %add3A_84 = arith.addi %mul3A_43, %add3A_83 : vector<16xi32>
        %gather3A_85 = tpu.vector_load_idx %arg5[%add3A_84] : memref<24576xf32, #tpu.memory_space<vmem>>[vector<16xi32>], vector<16xf32>,
        %swap3A_86 = arith.constant 5 : i32
        %swap3A_87 = arith.index_cast %swap3A_86 : i32 to index
        %swap3A_88 = arith.index_cast %add3A_39 : i32 to index
        %swap3A_89 = tpu.vector_load %arg7[%swap3A_87, %swap3A_88] {strides = array<i32>} : memref<6x2048xf32, #tpu.memory_space<vmem>>, vector<16xf32>,
        tpu.vector_store %arg7[%swap3A_87, %swap3A_88], %gather3A_85 {strides = array<i32>} : memref<6x2048xf32, #tpu.memory_space<vmem>>, vector<16xf32>,
      }
      %scan3A_33 = arith.constant 128 : i32
      %add3A_34 = arith.addi %mul3A_2, %add3A_27 : i32
      "tpu.region"() ({
        %run_scoped3A = tpu.sem_alloc : memref<!tpu.dma_semaphore, #tpu.memory_space<semaphore_mem>>
        %dma_start3A = arith.constant 0 : i32
        %dma_start3A_35 = tpu.memref_slice %arg4[%dma_start3A, %add3A_34] : memref<6x327680xf32, #tpu.memory_space<hbm>> -> memref<6x2048xf32, #tpu.memory_space<hbm>>
        %dma_start3A_36 = arith.constant 0 : i32
        %dma_start3A_37 = tpu.memref_slice %arg4[%dma_start3A_36, %add3A_34] : memref<6x327680xf32, #tpu.memory_space<hbm>> -> memref<6x2048xf32, #tpu.memory_space<hbm>>
        tpu.enqueue_dma source(%arg7 : memref<6x2048xf32, #tpu.memory_space<vmem>>) target(%dma_start3A_37 : memref<6x2048xf32, #tpu.memory_space<hbm>>) target_semaphore(%run_scoped3A : memref<!tpu.dma_semaphore, #tpu.memory_space<semaphore_mem>>)
        %dma_wait3A = arith.constant 0 : i32
        %dma_wait3A_38 = tpu.memref_slice %arg4[%dma_wait3A, %add3A_34] : memref<6x327680xf32, #tpu.memory_space<hbm>> -> memref<6x2048xf32, #tpu.memory_space<hbm>>
        %dma_wait3A_39 = arith.constant 0 : i32
        %dma_wait3A_40 = tpu.memref_slice %arg4[%dma_wait3A_39, %add3A_34] : memref<6x327680xf32, #tpu.memory_space<hbm>> -> memref<6x2048xf32, #tpu.memory_space<hbm>>
        tpu.wait_dma2 semaphore(%run_scoped3A : memref<!tpu.dma_semaphore, #tpu.memory_space<semaphore_mem>>) src(%arg7 : memref<6x2048xf32, #tpu.memory_space<vmem>>) dst(%dma_wait3A_40 : memref<6x2048xf32, #tpu.memory_space<hbm>>)
        tpu.yield
      }) : () -> ()
    }
    %scan3A_22 = arith.constant 5 : i32
    return
  }
}

module attributes {stable_mosaic.version = 14 : i64} {
  func.func @_topk_body(%arg0: i32, %arg1: i32, %arg2: memref<1x3x4096xf32, #tpu.memory_space<vmem>>, %arg3: memref<1x4096x3xf32, #tpu.memory_space<vmem>>, %arg4: memref<1x512x32xi32, #tpu.memory_space<vmem>>, %arg5: memref<512x4096xf32, #tpu.memory_space<vmem>>) attributes {dimension_semantics = [#tpu.dimension_semantics<parallel>, #tpu.dimension_semantics<parallel>], iteration_bounds = array<i64: 4, 8>, scalar_prefetch = 0 : i64, scratch_operands = 1 : i64, tpu.core_type = #tpu.core_type<tc>, window_params = [{transform_indices = @transform_0, window_bounds = array<i64: 1, 3, 4096>}, {transform_indices = @transform_1, window_bounds = array<i64: 1, 4096, 3>}, {transform_indices = @transform_2, window_bounds = array<i64: 1, 512, 32>}]} {
    %get3A = arith.constant 0 : index
    %get3A_0 = arith.constant 0 : index
    %get3A_1 = arith.constant 0 : index
    %get3A_2 = vector.load %arg2[%get3A, %get3A_0, %get3A_1] : memref<1x3x4096xf32, #tpu.memory_space<vmem>>, vector<1x3x4096xf32>
    %get3A_3 = vector.shape_cast %get3A_2 : vector<1x3x4096xf32> to vector<3x4096xf32>
    %mul3A = arith.constant 512 : i32
    %mul3A_4 = arith.muli %arg1, %mul3A : i32
    %get3A_5 = arith.constant 0 : index
    %get3A_6 = arith.index_cast %mul3A_4 : i32 to index
    %get3A_7 = arith.constant 0 : index
    %get3A_8 = vector.load %arg3[%get3A_5, %get3A_6, %get3A_7] : memref<1x4096x3xf32, #tpu.memory_space<vmem>>, vector<1x512x3xf32>
    %get3A_9 = vector.shape_cast %get3A_8 : vector<1x512x3xf32> to vector<512x3xf32>
    %slice3A = vector.extract_strided_slice %get3A_3 {offsets = [0, 0], sizes = [1, 4096], strides = [1, 1]} : vector<3x4096xf32> to vector<1x4096xf32>
    %slice3A_10 = vector.extract_strided_slice %get3A_3 {offsets = [1, 0], sizes = [1, 4096], strides = [1, 1]} : vector<3x4096xf32> to vector<1x4096xf32>
    %slice3A_11 = vector.extract_strided_slice %get3A_3 {offsets = [2, 0], sizes = [1, 4096], strides = [1, 1]} : vector<3x4096xf32> to vector<1x4096xf32>
    %slice3A_12 = vector.extract_strided_slice %get3A_9 {offsets = [0, 0], sizes = [512, 1], strides = [1, 1]} : vector<512x3xf32> to vector<512x1xf32>
    %slice3A_13 = vector.extract_strided_slice %get3A_9 {offsets = [0, 1], sizes = [512, 1], strides = [1, 1]} : vector<512x3xf32> to vector<512x1xf32>
    %slice3A_14 = vector.extract_strided_slice %get3A_9 {offsets = [0, 2], sizes = [512, 1], strides = [1, 1]} : vector<512x3xf32> to vector<512x1xf32>
    %mul3A_15 = arith.mulf %slice3A, %slice3A : vector<1x4096xf32>
    %mul3A_16 = arith.mulf %slice3A_10, %slice3A_10 : vector<1x4096xf32>
    %add3A = arith.addf %mul3A_15, %mul3A_16 : vector<1x4096xf32>
    %mul3A_17 = arith.mulf %slice3A_11, %slice3A_11 : vector<1x4096xf32>
    %add3A_18 = arith.addf %add3A, %mul3A_17 : vector<1x4096xf32>
    %mul3A_19 = arith.mulf %slice3A_12, %slice3A_12 : vector<512x1xf32>
    %mul3A_20 = arith.mulf %slice3A_13, %slice3A_13 : vector<512x1xf32>
    %add3A_21 = arith.addf %mul3A_19, %mul3A_20 : vector<512x1xf32>
    %mul3A_22 = arith.mulf %slice3A_14, %slice3A_14 : vector<512x1xf32>
    %add3A_23 = arith.addf %add3A_21, %mul3A_22 : vector<512x1xf32>
    %convert_element_type3A = arith.truncf %get3A_9 : vector<512x3xf32> to vector<512x3xbf16>
    %convert_element_type3A_24 = arith.truncf %get3A_3 : vector<3x4096xf32> to vector<3x4096xbf16>
    %dot_general3A = arith.constant dense<0.000000e+00> : vector<512x4096xf32>
    %dot_general3A_25 = tpu.matmul %convert_element_type3A, %convert_element_type3A_24, %dot_general3A {dimension_numbers = #tpu.dot_dimension_numbers<[1], [0], [0], [1], [0, 0, 1, 1], [], []>, transpose_lhs_hint = false} : vector<512x3xbf16>, vector<3x4096xbf16>, vector<512x4096xf32> -> vector<512x4096xf32>
    %mul3A_26 = arith.constant -2.000000e+00 : f32
    %mul3A_27 = vector.broadcast %mul3A_26 : f32 to vector<512x4096xf32>
    %mul3A_28 = arith.mulf %mul3A_27, %dot_general3A_25 : vector<512x4096xf32>
    %neg3A = arith.constant 0.000000e+00 : f32
    %neg3A_29 = vector.broadcast %neg3A : f32 to vector<1x4096xf32>
    %neg3A_30 = arith.subf %neg3A_29, %add3A_18 : vector<1x4096xf32>
    %sub3A = vector.broadcast %neg3A_30 : vector<1x4096xf32> to vector<512x4096xf32>
    %sub3A_31 = arith.subf %sub3A, %mul3A_28 : vector<512x4096xf32>
    %sub3A_32 = vector.broadcast %add3A_23 : vector<512x1xf32> to vector<512x4096xf32>
    %sub3A_33 = arith.subf %sub3A_31, %sub3A_32 : vector<512x4096xf32>
    %swap3A = arith.constant 0 : index
    %swap3A_34 = arith.constant 0 : index
    %swap3A_35 = vector.load %arg5[%swap3A, %swap3A_34] : memref<512x4096xf32, #tpu.memory_space<vmem>>, vector<512x4096xf32>
    tpu.vector_store %arg5[%swap3A, %swap3A_34], %sub3A_33 {strides = array<i32>} : memref<512x4096xf32, #tpu.memory_space<vmem>>, vector<512x4096xf32>,
    %iota3A = tpu.iota {dimensions = array<i32: 1>} : vector<512x4096xi32>
    %iota3A_36 = tpu.iota {dimensions = array<i32: 1>} : vector<512x32xi32>
    %broadcast_in_dim3A = arith.constant 0 : i32
    %broadcast_in_dim3A_37 = vector.broadcast %broadcast_in_dim3A : i32 to vector<512x32xi32>
    %scan3A = arith.constant 0xFF800000 : f32
    %scan3A_38 = arith.constant 0 : i32
    %scan3A_39 = arith.constant 20 : i32
    %scan3A_40 = arith.addi %scan3A_38, %scan3A_39 : i32
    %scan3A_41 = arith.constant 1 : i32
    %scan3A_42 = scf.for %scan3A_50 = %scan3A_38 to %scan3A_40 step %scan3A_41 iter_args(%scan3A_51 = %broadcast_in_dim3A_37) -> (vector<512x32xi32>)  : i32 {
      %get3A_52 = arith.constant 0 : index
      %get3A_53 = arith.constant 0 : index
      %get3A_54 = vector.load %arg5[%get3A_52, %get3A_53] : memref<512x4096xf32, #tpu.memory_space<vmem>>, vector<512x4096xf32>
      %reduce_max3A = arith.constant dense<0xFF800000> : vector<512xf32>
      %reduce_max3A_55 = vector.multi_reduction <maximumf>, %get3A_54, %reduce_max3A [1] : vector<512x4096xf32> to vector<512xf32>
      %broadcast_in_dim3A_56 = vector.shape_cast %reduce_max3A_55 : vector<512xf32> to vector<512x1xf32>
      %eq3A = vector.broadcast %broadcast_in_dim3A_56 : vector<512x1xf32> to vector<512x4096xf32>
      %eq3A_57 = arith.cmpf oeq, %get3A_54, %eq3A : vector<512x4096xf32>
      %jit3A = arith.constant 4096 : i32
      %broadcast_in_dim3A_58 = vector.broadcast %jit3A : i32 to vector<512x4096xi32>
      %select_n3A = arith.select %eq3A_57, %iota3A, %broadcast_in_dim3A_58 : vector<512x4096xi1>, vector<512x4096xi32>
      %reduce_min3A = arith.constant dense<2147483647> : vector<512xi32>
      %reduce_min3A_59 = vector.multi_reduction <minsi>, %select_n3A, %reduce_min3A [1] : vector<512x4096xi32> to vector<512xi32>
      %broadcast_in_dim3A_60 = vector.shape_cast %reduce_min3A_59 : vector<512xi32> to vector<512x1xi32>
      %eq3A_61 = vector.broadcast %broadcast_in_dim3A_60 : vector<512x1xi32> to vector<512x4096xi32>
      %eq3A_62 = arith.cmpi eq, %iota3A, %eq3A_61 : vector<512x4096xi32>
      %broadcast_in_dim3A_63 = vector.broadcast %scan3A : f32 to vector<512x4096xf32>
      %select_n3A_64 = arith.select %eq3A_62, %broadcast_in_dim3A_63, %get3A_54 : vector<512x4096xi1>, vector<512x4096xf32>
      %swap3A_65 = arith.constant 0 : index
      %swap3A_66 = arith.constant 0 : index
      %swap3A_67 = vector.load %arg5[%swap3A_65, %swap3A_66] : memref<512x4096xf32, #tpu.memory_space<vmem>>, vector<512x4096xf32>
      tpu.vector_store %arg5[%swap3A_65, %swap3A_66], %select_n3A_64 {strides = array<i32>} : memref<512x4096xf32, #tpu.memory_space<vmem>>, vector<512x4096xf32>,
      %eq3A_68 = vector.broadcast %scan3A_50 : i32 to vector<512x32xi32>
      %eq3A_69 = arith.cmpi eq, %iota3A_36, %eq3A_68 : vector<512x32xi32>
      %broadcast_in_dim3A_70 = vector.shape_cast %broadcast_in_dim3A_60 : vector<512x1xi32> to vector<512x1xi32>
      %broadcast_in_dim3A_71 = vector.broadcast %broadcast_in_dim3A_70 : vector<512x1xi32> to vector<512x32xi32>
      %select_n3A_72 = arith.select %eq3A_69, %broadcast_in_dim3A_71, %scan3A_51 : vector<512x32xi1>, vector<512x32xi32>
      scf.yield %select_n3A_72 : vector<512x32xi32>
    }
    %scan3A_43 = arith.constant 20 : i32
    %swap3A_44 = arith.constant 0 : index
    %swap3A_45 = arith.constant 0 : index
    %swap3A_46 = arith.constant 0 : index
    %swap3A_47 = vector.load %arg4[%swap3A_44, %swap3A_45, %swap3A_46] : memref<1x512x32xi32, #tpu.memory_space<vmem>>, vector<1x512x32xi32>
    %swap3A_48 = vector.shape_cast %swap3A_47 : vector<1x512x32xi32> to vector<512x32xi32>
    %swap3A_49 = vector.shape_cast %scan3A_42 : vector<512x32xi32> to vector<1x512x32xi32>
    tpu.vector_store %arg4[%swap3A_44, %swap3A_45, %swap3A_46], %swap3A_49 {strides = array<i32>} : memref<1x512x32xi32, #tpu.memory_space<vmem>>, vector<1x512x32xi32>,
    return
  }
  func.func @transform_0(%arg0: i32, %arg1: i32) -> (i32, i32, i32) {
    %c0_i32 = arith.constant 0 : i32
    %c0_i32_0 = arith.constant 0 : i32
    %c0_i32_1 = arith.constant 0 : i32
    return %arg0, %c0_i32, %c0_i32_0 : i32, i32, i32
  }
  func.func @transform_1(%arg0: i32, %arg1: i32) -> (i32, i32, i32) {
    %c0_i32 = arith.constant 0 : i32
    %c0_i32_0 = arith.constant 0 : i32
    %c0_i32_1 = arith.constant 0 : i32
    return %arg0, %c0_i32, %c0_i32_0 : i32, i32, i32
  }
  func.func @transform_2(%arg0: i32, %arg1: i32) -> (i32, i32, i32) {
    %c0_i32 = arith.constant 0 : i32
    %c0_i32_0 = arith.constant 0 : i32
    return %arg0, %arg1, %c0_i32 : i32, i32, i32
  }
}

</mosaic_0001>

<sc_bundles>
// kernel: kernel.4.cloned.1.call-start
scs
__scs_entry_jumppad:
0x0: {  	(pc) =	sbr.rel $0x88, $3  }
0x1: {  	(tag) =	ssettag $0x0;
	lr =	simm.s32 $0x1  }
0x2: {  	[smem:$0x3F9F] =	sst lr;
	_ =	strace $0xD0000000  }
0x3: {  	_ = 	snop  }
0x4: {  	_ = 	snop  }
0x5: {  	_ = 	snop  }
0x6: {  	_ = 	snop  }
0x7: {  	_ = 	snop  }
__scs_overlays_trampoline_lowered:
0x8: {  	[smem:$0x3FAE] =	sst s0  }
0x9: {  	[smem:$0x3FAF] =	sst s1  }
0xa: {  	[smem:$0x3FB0] =	sst s2  }
0xb: {  	[smem:$0x3FB1] =	sst s3  }
0xc: {  	[smem:$0x3FB2] =	sst s4  }
0xd: {  	[smem:$0x3FB3] =	sst s5  }
0xe: {  	[smem:$0x3FB4] =	sst s6  }
0xf: {  	[smem:$0x3FB5] =	sst s7  }
0x10: {  	[smem:$0x3FB6] =	sst s8  }
0x11: {  	[smem:$0x3FB7] =	sst s9;
	s0 =	simm.s32 @!p0 $0x0  }
0x12: {  	s1 =	sld [smem:$0x3F9D];
	s0 =	simm.s32 @p0 $0x1  }
0x13: {  	[smem:$0x3FB8] =	sst s0;
	s0 =	simm.s32 @!p1 $0x0  }
0x14: {  	s2 =	sld [smem:$0x3F9C];
	s0 =	simm.s32 @p1 $0x1  }
0x15: {  	[smem:$0x3FB9] =	sst s0;
	s0 =	simm.s32 @!p2 $0x0  }
0x16: {  	s3 =	sld [smem:$0x3FDB];
	s0 =	simm.s32 @p2 $0x1  }
0x17: {  	s4 =	simm.s32 $0x1BF5;
	[smem:$0x3FBB] =	sst s0  }
0x18: {  	s0 =	sld [smem:$0x3F9E];
	_ =	swait.ge [sflag:s4], $0x0  }
0x19: {  	s7 =	sld [smem:$0x3F9F]  }
0x1a: {  	s8 =	sadd.s32 $0xFFFFE003, lr  }
0x1b: {  	s9 =	sadd.s32 $0xFFFFFEF7, lr;
	s5 =	simm.s32 $0xFFFFFFFF;
	p2 =	slt.u32 s8, $0xFFFFF086  }
0x1c: {  	p1 =	slt.u32 s9, $0xF7A;
	s5 =	simm.s32 @!p2 $0x0  }
0x1d: {  	s5 =	simm.s32 @p1 $0x1;
	p0 =	seq.s32 s7, s2  }
0x1e: {  	s7 =	smul.u32 @!p0 $0xF7A, s2;
	p2 =	seq.s32 @!p0 s5, $0x0  }
0x1f: {  	s9 =	smul.u32 $0xF7A, s1;
	s8 =	simm.s32 @!p0 $0x1BF5;
	p2 =	por !p2, p0  }
0x20: {  	[sflag:s8] =	ssyncset.s32 @!p0 $0xFFFFF086;
	s6 =	sadd.s32 @!p0 s3, s7;
	s7 =	simm.s32 @!p0 $0x108  }
0x21: {  	s3 =	sadd.s32 s3, s9;
	s6 =	sadd.s32 @!p0 $0x88, s6;
	s7 =	simm.s32 @p2 $0x1082  }
0x22: {  	[simem:s7], [sflag:s8] =	dma.local @!p0 [hbm:s6], $0xF7A  }
0x23: {  	s9 =	sor.u32 $0xD0000000, s2;
	s6 =	simm.s32 $0x108;
	_ =	swait.ge @!p0 [sflag:s8], $0x0  }
0x24: {  	s3 =	sadd.s32 $0x88, s3;
	s6 =	simm.s32 @!p1 $0x1082;
	[sflag:s4] =	ssyncset.s32 $0xFFFFF086  }
0x25: {  	[simem:s6], [sflag:s4] =	dma.local [hbm:s3], $0xF7A  }
0x26: {  	[smem:$0x3F9F] =	sst s1;
	(tag) =	ssettag s2;
	_ =	strace s9  }
0x27: {  	s1 =	sld [smem:$0x3FAF]  }
0x28: {  	s2 =	sld [smem:$0x3FB0]  }
0x29: {  	s4 =	sld [smem:$0x3FB2]  }
0x2a: {  	p0 =	seq.s32 s5, $0x0;
	s5 =	sld [smem:$0x3FB3]  }
0x2b: {  	s6 =	sld [smem:$0x3FB4]  }
0x2c: {  	s7 =	sld [smem:$0x3FB5]  }
0x2d: {  	s3 =	simm.s32 $0x108;
	s8 =	sld [smem:$0x3FB6]  }
0x2e: {  	s3 =	simm.s32 @!p0 $0x1082;
	s9 =	sld [smem:$0x3FB7]  }
0x2f: {  	lr =	sadd.s32 s0, s3;
	s0 =	sld [smem:$0x3FAE]  }
0x30: {  	s3 =	sld [smem:$0x3FB1]  }
0x31: {  	[smem:$0x3FBA] =	sst s10  }
0x32: {  	s10 =	sld [smem:$0x3FB8];
	_ =	sdelay $0x3  }
0x33: {  	p0 =	seq.s32 s10, $0x1;
	s10 =	sld [smem:$0x3FBA];
	_ =	sdelay $0x3  }
0x34: {  	[smem:$0x3FBA] =	sst s10  }
0x35: {  	s10 =	sld [smem:$0x3FB9];
	_ =	sdelay $0x3  }
0x36: {  	p1 =	seq.s32 s10, $0x1;
	s10 =	sld [smem:$0x3FBA];
	_ =	sdelay $0x3  }
0x37: {  	[smem:$0x3FBA] =	sst s10  }
0x38: {  	s10 =	sld [smem:$0x3FBB]  }
0x39: {  	_ = 	snop;
	(pc) =	sbr.ind lr, $3  }
0x3a: {  	_ = 	snop  }
0x3b: {  	_ = 	snop  }
0x3c: {  	p2 =	seq.s32 s10, $0x1;
	s10 =	sld [smem:$0x3FBA]  }
0x3d: {  	_ =	shalt  }
0x3e: {  	_ =	shalt  }
0x3f: {  	_ =	shalt  }
0x40: {  	_ =	shalt  }
0x41: {  	_ =	shalt  }
0x42: {  	_ =	shalt  }
0x43: {  	_ =	shalt  }
0x44: {  	_ =	shalt  }
0x45: {  	_ =	shalt  }
0x46: {  	_ =	shalt  }
0x47: {  	_ =	shalt  }
0x48: {  	_ =	shalt  }
0x49: {  	_ =	shalt  }
0x4a: {  	_ =	shalt  }
0x4b: {  	_ =	shalt  }
0x4c: {  	_ =	shalt  }
0x4d: {  	_ =	shalt  }
0x4e: {  	_ =	shalt  }
0x4f: {  	_ =	shalt  }
0x50: {  	_ =	shalt  }
0x51: {  	_ =	shalt  }
0x52: {  	_ =	shalt  }
0x53: {  	_ =	shalt  }
0x54: {  	_ =	shalt  }
0x55: {  	_ =	shalt  }
0x56: {  	_ =	shalt  }
0x57: {  	_ =	shalt  }
0x58: {  	_ =	shalt  }
0x59: {  	_ =	shalt  }
0x5a: {  	_ =	shalt  }
0x5b: {  	_ =	shalt  }
0x5c: {  	_ =	shalt  }
0x5d: {  	_ =	shalt  }
0x5e: {  	_ =	shalt  }
0x5f: {  	_ =	shalt  }
0x60: {  	_ =	shalt  }
0x61: {  	_ =	shalt  }
0x62: {  	_ =	shalt  }
0x63: {  	_ =	shalt  }
0x64: {  	_ =	shalt  }
0x65: {  	_ =	shalt  }
0x66: {  	_ =	shalt  }
0x67: {  	_ =	shalt  }
0x68: {  	_ =	shalt  }
0x69: {  	_ =	shalt  }
0x6a: {  	_ =	shalt  }
0x6b: {  	_ =	shalt  }
0x6c: {  	_ =	shalt  }
0x6d: {  	_ =	shalt  }
0x6e: {  	_ =	shalt  }
0x6f: {  	_ =	shalt  }
0x70: {  	_ =	shalt  }
0x71: {  	_ =	shalt  }
0x72: {  	_ =	shalt  }
0x73: {  	_ =	shalt  }
0x74: {  	_ =	shalt  }
0x75: {  	_ =	shalt  }
0x76: {  	_ =	shalt  }
0x77: {  	_ =	shalt  }
0x78: {  	_ =	shalt  }
0x79: {  	_ =	shalt  }
0x7a: {  	_ =	shalt  }
0x7b: {  	_ =	shalt  }
0x7c: {  	_ =	shalt  }
0x7d: {  	_ =	shalt  }
0x7e: {  	_ =	shalt  }
0x7f: {  	_ =	shalt  }
0x80: {  	_ =	shalt  }
0x81: {  	_ =	shalt  }
0x82: {  	_ =	shalt  }
0x83: {  	_ =	shalt  }
0x84: {  	_ =	shalt  }
0x85: {  	_ =	shalt  }
0x86: {  	_ =	shalt  }
0x87: {  	_ =	shalt  }
.Lfunc_end0:
.L_simem_size_0:
called_computation_lowered:
.L_overlay_start_0:
0x88: {  	s2 =	sld [smem:$0x3FD9]  }
0x89: {  	s3 =	sld [smem:$0x3FFE];
	_ =	sdelay $0x1  }
0x8a: {  	s1 =	srdreg.scid  }
0x8b: {  	s0 =	sand.u32 $0x1, s1  }
0x8c: {  	s17 =	sshll.u32 s0, $0xA;
	s2 =	sadd.s32 s3, s2  }
0x8d: {  	s2 =	sadd.s32 s2, s17  }
0x8e: {  	[smem:$0x3FC6] =	sst s2  }
0x8f: {  	_ = 	snop  }
0x90: {  	s2 =	sld [smem:$0x3FD0];
	(tm) =	ssettm $0x1  }
0x91: {  	s18 =	sld [smem:$0x3FFB];
	_ =	sdelay $0x3  }
0x92: {  	_ =	strace s18  }
0x93: {  	s3 =	sld [smem:$0x3FFC];
	_ =	sdelay $0x3  }
0x94: {  	_ =	strace s3  }
0x95: {  	s3 =	sld [smem:$0x3FFD];
	_ =	sdelay $0x3  }
0x96: {  	_ =	strace s3  }
0x97: {  	_ =	strace $0x8FFFFFFF  }
0x98: {  	s19 =	sld [smem:$0x3FDB];
	_ =	sdelay $0x1  }
0x99: {  	s4 =	simm.s32 $_scs_section_size  }
0x9a: {  	s5 =	simm.s32 $_size__tile_overlayer_lowered;
	s6 =	simm.s32 $_tile_overlayer_lowered  }
0x9b: {  	s22 =	simm.s32 $0x1BFF;
	s21 =	sshll.u32 s6, $0x1;
	s3 =	sadd.s32 s4, s19  }
0x9c: {  	s7 =	simm.s32 $0x0;
	s20 =	sshll.u32 s5, $0x1;
	s5 =	sadd.s32 s21, s3  }
0x9d: {  	[timem:s7], [sflag:s22] =	dma.local [hbm:s5], s20  }
0x9e: {  	_ =	swait.ge [sflag:s22], s20  }
0x9f: {  	s4 =	ssub.s32 $0x0, s20;
	[sflag:s22] =	ssyncset.done $0x0  }
0xa0: {  	[sflag:s22] =	ssyncadd.s32 s4;
	_ =	sdelay $0x1  }
0xa1: {  	s23 =	simm.s32 $0x1B8B  }
0xa2: {  	_ =	swait.ge [sflag:s23], $0x1  }
0xa3: {  	[sflag:s23] =	ssyncset.done $0x0  }
0xa4: {  	s25 =	simm.s32 $0x1B8E;
	s24 =	sld [smem:$0x3FFE];
	[sflag:s23] =	ssyncadd.s32 $0xFFFFFFFF  }
0xa5: {  	s26 =	simm.s32 $execute0_lowered;
	[smem:$0x3FD2] =	sst s25  }
0xa6: {  	s5 =	sshll.u32 s26, $0x1;
	_ =	strace $0x80000046;
	[dreg:$0x1] =	wrdreg $0xFFFFFFFF  }
0xa7: {  	s28 =	simm.s32 $_size_execute0_lowered;
	s3 =	sadd.s32 s3, s5;
	[dreg:$0x0] =	wrdreg $0x0  }
0xa8: {  	s5 =	sshll.u32 s28, $0x1;
	[dreg:$0x2] =	wrdreg s3  }
0xa9: {  	[dreg:$0x3] =	wrdreg s5  }
0xaa: {  	[dreg:$0x4] =	wrdreg $0xC0  }
0xab: {  	_ =	task [dreg:s7], $0x5FFFF  }
0xac: {  	[dreg:$0x1] =	wrdreg $0xFFFFFFFF  }
0xad: {  	[dreg:$0x0] =	wrdreg $0x60  }
0xae: {  	[dreg:$0x2] =	wrdreg s24  }
0xaf: {  	[dreg:$0x3] =	wrdreg s2  }
0xb0: {  	[dreg:$0x4] =	wrdreg $0x9  }
0xb1: {  	_ =	task.clear_ibuf [dreg:s7], $0x5FFFF;
	_ =	strace $0x90000046  }
0xb2: {  	s29 =	simm.s32 $0x9;
	_ =	strace $0x80000048  }
0xb3: {  	_ =	swait.ge [sflag:s29], $0x1  }
0xb4: {  	[sflag:s29] =	ssyncadd.s32 $0xFFFFFFFF  }
0xb5: {  	_ =	strace $0x90000048  }
0xb6: {  	_ =	sfence  }
0xb7: {  	s30 =	sld [smem:$0x0];
	_ =	sdelay $0x2  }
0xb8: {  	s31 =	sshll.u32 s1, $0xD;
	s1 =	sshrl.u32 s1, $0x2  }
0xb9: {  	s3 =	sand.u32 $0x4000, s31;
	s1 =	sadd.s32 s1, s30  }
0xba: {  	s0 =	sor.u32 s3, s0;
	s1 =	sshll.u32 s1, $0x11  }
0xbb: {  	s0 =	sor.u32 s1, s0  }
0xbc: {  	s0 =	sadd.s32 $0x8F2B, s0  }
0xbd: {  	[sflag:s0] =	ssyncadd.remote.s32 $0x1  }
0xbe: {  	_ =	sfence.sel $0xFFFF  }
0xbf: {  	[dreg:$0x0] =	wrdreg $0xFFFFFFFF;
	(pc) =	sbr.abs _section_cstart, $3  }
0xc0: {  	[dreg:$0x1] =	wrdreg $0xFFFFFFFF  }
0xc1: {  	_ =	task.clear_ibuf [dreg:s7], $0x2FFFF;
	_ =	strace $0x9FFFFFFF  }
0xc2: {  	(tm) =	ssettm $0x7FFFFFFF  }
0xc3: {  	_ =	shalt  }
tec
execute0_lowered:
.L_overlay_start_1:
0x0: {  	(tag) =	ssettag $0x1  }
0x1: {  	s4 =	rddreg [dreg:$0x0]  }
0x2: {  	s2 =	rddreg [dreg:$0x1]  }
0x3: {  	s0 =	rddreg [dreg:$0x2];
	s3 =	simm.s32 $0x0;
	s1 =	stileid.u32  }
0x4: {  	s6 =	srdreg.scid;
	s10 =	simm.s32 $0x1;
	s11 =	simm.s32 $0x6800  }
0x5: {  	s12 =	simm.s32 $0x0;
	[smem:$0x7FF] =	sst s3;
	s5 =	sshll.u32 s1, $0x2  }
0x6: {  	s6 =	sand.u32 $0x1, s6;
	s8 =	sshll.u32 s1, $0x1;
	_ =	strace $0x80000047  }
0x7: {  	s5 =	sand.u32 $0x30, s5;
	s30 =	ssub.s32 $0x2, s6;
	s6 =	sor.u32 s6, s8  }
0x8: {  	s8 =	simm.s32 $0x80;
	s7 =	sadd.s32 s5, s4;
	s9 =	sshrl.u32 s30, $0x1  }
0x9: {  	s4 =	sadd.s32 $0xA00, s4;
	s5 =	smul.u32 $0x2800, s6;
	s31 =	ssub.s32 s30, s9  }
0xa: {  	s6 =	sadd.s32 $0xAA00, s7;
	s9 =	simm.s32 $0x200;
	s7 =	smax.u32 s31, $0x1  }
.LBB2_1:
0xb: {  	[tilespmem:s3], [sflag:$0x1] =	stream.strided.gather [hbm4b:s6+s8], $0x6000, s9, s8, $0x38;
	[tilespmem:$0xA800] =	vst v63  }
0xc: {  	_ =	swait.ge [sflag:s10], $0x6000  }
0xd: {  	[sflag:s10] =	ssyncset.done $0x0  }
0xe: {  	s13 =	simm.s32 $0x0;
	[sflag:s10] =	ssyncadd.s32 $0xFFFFA000  }
.LBB2_2:
0xf: {  	s14 =	sshll.u32 s13, $0xB  }
0x10: {  	s14 =	sadd.s32 s5, s14  }
0x11: {  	s15 =	sshrl.u32 s14, $0x3  }
0x12: {  	s16 =	simm.s32 $0x6000;
	s17 =	sadd.s32 s4, s15;
	s15 =	simm.s32 $0x0  }
0x13: {  	[tilespmem:s16], [sflag:$0x1] =	stream.linear.gather [hbm4b:s17+s15], $0x800, $0x38;
	[tilespmem:$0xA800] =	vst v63  }
0x14: {  	_ =	swait.ge [sflag:s10], $0x800  }
0x15: {  	[sflag:s10] =	ssyncset.done $0x0  }
0x16: {  	[sflag:s10] =	ssyncadd.s32 $0xFFFFF800  }
0x17: {  	v0 =	vld [tilespmem:s16+$0x0];
	_ =	sdelay $0x4  }
0x18: {  	v0 =	vmul.u32 $0x6, v0;
	_ =	sdelay $0x5  }
0x19: {  	v1 =	vld.idx.msk [tilespmem:v0+s3+$0x0], $0xffff  }
0x1a: {  	v2 =	vor.u32 $0x1, v0;
	_ =	sdelay $0x1  }
0x1b: {  	s31 =	sand.u32 $0x70, s15;
	s18 =	sand.u32 $0x3C00, s15  }
0x1c: {  	s18 =	sor.u32 s31, s18  }
0x1d: {  	[tilespmem:s18+$0x6800] =	vst v1  }
0x1e: {  	v1 =	vld.idx.msk [tilespmem:v2+s3+$0x0], $0xffff  }
0x1f: {  	v2 =	vadd.s32 $0x2, v0;
	_ =	sdelay $0x3  }
0x20: {  	[tilespmem:s18+$0x6880] =	vst v1  }
0x21: {  	v1 =	vld.idx.msk [tilespmem:v2+s3+$0x0], $0xffff  }
0x22: {  	v2 =	vadd.s32 $0x3, v0;
	_ =	sdelay $0x3  }
0x23: {  	[tilespmem:s18+$0x6900] =	vst v1  }
0x24: {  	v1 =	vld.idx.msk [tilespmem:v2+s3+$0x0], $0xffff  }
0x25: {  	v2 =	vadd.s32 $0x4, v0;
	_ =	sdelay $0x3  }
0x26: {  	[tilespmem:s18+$0x6980] =	vst v1  }
0x27: {  	v1 =	vld.idx.msk [tilespmem:v2+s3+$0x0], $0xffff  }
0x28: {  	v0 =	vadd.s32 $0x5, v0;
	_ =	sdelay $0x3  }
0x29: {  	[tilespmem:s18+$0x6A00] =	vst v1  }
0x2a: {  	s17 =	simm.s32 $0x10;
	v0 =	vld.idx.msk [tilespmem:v0+s3+$0x0], $0xffff  }
.LBB2_3:
0x2b: {  	_ =	sdelay $0x3  }
0x2c: {  	p0 =	sne.s32 s17, $0x7F0;
	s15 =	sadd.s32 $0x80, s15;
	s16 =	sadd.s32 $0x10, s16;
	[tilespmem:s18+$0x6A80] =	vst v0  }
0x2d: {  	s18 =	smov.u32 s17;
	s17 =	sadd.s32 $0x10, s17;
	v0 =	vld [tilespmem:s16+$0x0];
	_ =	sdelay $0x4  }
0x2e: {  	v0 =	vmul.u32 $0x6, v0;
	_ =	sdelay $0x5  }
0x2f: {  	v1 =	vld.idx.msk [tilespmem:v0+s3+$0x0], $0xffff;
	_ =	sdelay $0x1  }
0x30: {  	v2 =	vor.u32 $0x1, v0;
	_ =	sdelay $0x1  }
0x31: {  	s19 =	sand.u32 $0x3C00, s15;
	s18 =	sand.u32 $0x70, s18  }
0x32: {  	s18 =	sor.u32 s18, s19  }
0x33: {  	[tilespmem:s18+$0x6800] =	vst v1  }
0x34: {  	v1 =	vld.idx.msk [tilespmem:v2+s3+$0x0], $0xffff;
	_ =	sdelay $0x1  }
0x35: {  	v2 =	vadd.s32 $0x2, v0;
	_ =	sdelay $0x3  }
0x36: {  	[tilespmem:s18+$0x6880] =	vst v1  }
0x37: {  	v1 =	vld.idx.msk [tilespmem:v2+s3+$0x0], $0xffff;
	_ =	sdelay $0x1  }
0x38: {  	v2 =	vadd.s32 $0x3, v0;
	_ =	sdelay $0x3  }
0x39: {  	[tilespmem:s18+$0x6900] =	vst v1  }
0x3a: {  	v1 =	vld.idx.msk [tilespmem:v2+s3+$0x0], $0xffff;
	_ =	sdelay $0x1  }
0x3b: {  	v2 =	vadd.s32 $0x4, v0;
	_ =	sdelay $0x3  }
0x3c: {  	[tilespmem:s18+$0x6980] =	vst v1  }
0x3d: {  	v1 =	vld.idx.msk [tilespmem:v2+s3+$0x0], $0xffff;
	_ =	sdelay $0x1  }
0x3e: {  	v0 =	vadd.s32 $0x5, v0  }
.Ltmp0:
0x3f: {  	(pc) =	sbr.rel @p0 .LBB2_3-.Ltmp0, $3  }
0x40: {  	_ =	sdelay $0x1  }
0x41: {  	[tilespmem:s18+$0x6A00] =	vst v1  }
0x42: {  	v0 =	vld.idx.msk [tilespmem:v0+s3+$0x0], $0xffff  }
0x43: {  	_ =	sdelay $0x1  }
0x44: {  	s13 =	sadd.s32 $0x1, s13  }
0x45: {  	p0 =	sne.s32 s13, $0x5  }
.Ltmp1:
0x46: {  	s14 =	sadd.s32 s2, s14;
	[tilespmem:s18+$0x6A80] =	vst v0;
	(pc) =	sbr.rel @p0 .LBB2_2-.Ltmp1, $4  }
0x47: {  	[hbm4b:s14+s3] =	stream.linear.scatter [tilespmem:s11], [sflag:$0x1], $0x4000, $0x38;
	[tilespmem:$0xA800] =	vst v63  }
0x48: {  	_ =	swait.ge [sflag:s10], $0x4000  }
0x49: {  	[sflag:s10] =	ssyncset.done $0x0  }
0x4a: {  	[sflag:s10] =	ssyncadd.s32 $0xFFFFC000  }
0x4b: {  	s12 =	sadd.s32 $0x1, s12  }
0x4c: {  	p0 =	sne.s32 s12, s7  }
.Ltmp2:
0x4d: {  	_ = 	snop;
	(pc) =	sbr.rel @p0 .LBB2_1-.Ltmp2, $1  }
0x4e: {  	_ =	sdelay $0x3  }
0x4f: {  	_ =	sfence.sel $0x180000  }
0x50: {  	[bflag:$0x0] =	sbarrier.arrive $0xFFFF  }
0x51: {  	p0 =	sne.s32 s1, $0x0;
	_ =	strace $0x90000047  }
0x52: {  	s0 =	sadd.s32 @!p0 $0x100000, s0;
	[bflag:$0x2] =	sbarrier.arrive $0xFFFF  }
0x53: {  	[sflag:s0] =	ssyncadd.tile.s32 @!p0 $0x1;
	_ =	shalt  }
.Lfunc_end2:
_tile_overlayer_lowered:
.L_overlay_start_2:
0x54: {  	(tag) =	ssettag $0x2  }
0x55: {  	s0 =	rddreg [dreg:$0x0];
	s2 =	stileid.u32  }
0x56: {  	s1 =	rddreg [dreg:$0x1];
	p0 =	sne.s32 s2, $0x0  }
0x57: {  	s3 =	rddreg [dreg:$0x2];
	[bflag:$0x3] =	sbarrier.arrive $0xFFFF;
	s2 =	simm.s32 @!p0 $0x1C01  }
0x58: {  	[timem:s3], [sflag:s2] =	dma.local @!p0 [hbm:s0], s1  }
0x59: {  	s0 =	simm.s32 @!p0 $0x1  }
0x5a: {  	_ =	swait.ge @!p0 [sflag:s0], s1  }
0x5b: {  	s1 =	ssub.s32 @!p0 $0x0, s1;
	[sflag:s0] =	ssyncset.done @!p0 $0x0  }
0x5c: {  	[sflag:s0] =	ssyncadd.s32 @!p0 s1  }
0x5d: {  	[bflag:$0x3] =	sbarrier.arrive $0xFFFF  }
0x5e: {  	_ =	shalt  }

</sc_bundles>
